<compile_context>
chip_gen: v7x
topology: tpu7x:2x2x1
jax: 0.10.2.dev20260603
libtpu: 0.0.44.dev20260713+nightly
codegen_flags: <defaults>
</compile_context>

<pallas_src>
import functools

import jax
import jax.numpy as jnp
from jax import lax
from jax.experimental import pallas as pl
from jax.experimental.pallas import tpu as pltpu
from jax.experimental.pallas import tpu_sc as plsc

NUM_ENT_PAIRS = 100000
N_RELS = 64
ROW_PAD = 128
BATCH = 4096
LANES = 16
NC = 2
NS = 16
NW = NC * NS
BPW = BATCH // NW


def _sc_body(idx_hbm, kb_hbm, sig_hbm, idx_v, rows_v, sig_v, sem):
    wid = lax.axis_index("s") * NC + lax.axis_index("c")
    base = wid * BPW

    pltpu.sync_copy(idx_hbm.at[pl.ds(base, BPW)], idx_v)
    pltpu.async_copy(kb_hbm.at[idx_v], rows_v, sem).wait()

    def row(r, carry):
        for c in range(N_RELS // LANES):
            x = rows_v[r, pl.ds(c * LANES, LANES)]
            sig_v[r, pl.ds(c * LANES, LANES)] = 1.0 / (1.0 + jnp.exp(-x))
        return carry

    lax.fori_loop(0, BPW, row, 0)

    pltpu.sync_copy(sig_v, sig_hbm.at[pl.ds(base, BPW)])


def _tc_body(sig_ref, p_ref, probs_ref):
    probs_ref[...] = jnp.sum(sig_ref[...] * p_ref[...], axis=1)


@jax.jit
def _run(ent_pair, p_pad, kb128):
    mesh = plsc.VectorSubcoreMesh(
        core_axis_name="c", subcore_axis_name="s",
        num_cores=NC, num_subcores=NS)
    sig = pl.kernel(
        _sc_body,
        out_type=jax.ShapeDtypeStruct((BATCH, N_RELS), jnp.float32),
        mesh=mesh,
        scratch_types=(
            pltpu.VMEM((BPW,), jnp.int32),
            pltpu.VMEM((BPW, ROW_PAD), jnp.float32),
            pltpu.VMEM((BPW, N_RELS), jnp.float32),
            pltpu.SemaphoreType.DMA,
        ),
        compiler_params=pltpu.CompilerParams(use_tc_tiling_on_sc=False),
    )(ent_pair, kb128)

    probs = pl.pallas_call(
        _tc_body,
        out_shape=jax.ShapeDtypeStruct((BATCH,), jnp.float32),
    )(sig, p_pad)
    return sig, probs


def kernel(ent_pair, p_not_na, p_rel_not_na, reprs, kb_table):
    idx = ent_pair.astype(jnp.int32)
    kb128 = jnp.pad(kb_table, ((0, 0), (0, ROW_PAD - N_RELS)))
    p_pad = jnp.concatenate(
        [jnp.zeros((BATCH, 1), jnp.float32), p_rel_not_na], axis=1)
    ent_pair_rel, probs = _run(idx, p_pad, kb128)
    return (probs, p_not_na, p_rel_not_na, reprs, ent_pair_rel)

# --- scband reference (transcript-rebuilt; emitter-appended) ---
"""Pipeline reference for scband-jrk-4148938407968 (READ-ONLY COPY).

The authoritative reference and input builder live on the scoring server;
editing this copy changes nothing except your own understanding.
"""

import jax, jax.numpy as jnp
import numpy as np

NUM_ENT_PAIRS = 100000
N_RELS = 64
BATCH = 4096
EN_DIM = 256


def setup_inputs(seed: int = 0) -> dict:
    key = jax.random.key(seed)
    k1, k2, k3, k4, k5 = jax.random.split(key, 5)
    ent_pair = jax.random.randint(k1, (BATCH,), 0, NUM_ENT_PAIRS, dtype=jnp.int64 if jax.config.jax_enable_x64 else jnp.int32)
    # encoder outputs are treated as precomputed inputs (Encoder class is external to this module)
    p_not_na = jax.random.uniform(k2, (BATCH,), dtype=jnp.float32)
    p_rel_not_na = jax.random.uniform(k3, (BATCH, N_RELS - 1), dtype=jnp.float32)
    reprs = jax.random.normal(k4, (BATCH, EN_DIM), dtype=jnp.float32)
    # ent_pair_rel_scores embedding table, initialized to -1 as in __init__ (weight.data.fill_(-1))
    kb_table = jnp.full((NUM_ENT_PAIRS, N_RELS), -1.0, dtype=jnp.float32)
    return {"ent_pair": ent_pair, "p_not_na": p_not_na, "p_rel_not_na": p_rel_not_na, "reprs": reprs, "kb_table": kb_table}


def reference(ent_pair, p_not_na, p_rel_not_na, reprs, kb_table):
    # ent_pair_rel = sigmoid(self.ent_pair_rel_scores(input['ent_pair']))
    ent_pair_rel = jax.nn.sigmoid(jnp.take(kb_table, ent_pair, axis=0))
    # probs = (ent_pair_rel[:, 1:] * p_rel_not_na).sum(dim=1)
    probs = jnp.sum(ent_pair_rel[:, 1:] * p_rel_not_na, axis=1)
    return (probs, p_not_na, p_rel_not_na, reprs, ent_pair_rel)

if __name__ == "__main__":
    import jax
    _d = setup_inputs()
    print(jax.jit(kernel)(*tuple(_d.values())))

</pallas_src>

<mosaic_0001>
#map = affine_map<(d0, d1) -> (0)>
#map1 = affine_map<(d0, d1) -> (0, 0)>
module attributes {stable_mosaic.version = 14 : i64} {
  func.func @_sc_body(%arg0: i32, %arg1: i32, %arg2: memref<4096xi32, #tpu.memory_space<hbm>>, %arg3: memref<100000x128xf32, #tpu.memory_space<hbm>>, %arg4: memref<4096x64xf32, #tpu.memory_space<hbm>>, %arg5: memref<128xi32, #tpu.memory_space<vmem>>, %arg6: memref<128x128xf32, #tpu.memory_space<vmem>>, %arg7: memref<128x64xf32, #tpu.memory_space<vmem>>, %arg8: memref<!tpu.dma_semaphore, #tpu.memory_space<semaphore_mem>>) attributes {dimension_semantics = [#tpu.dimension_semantics<core_parallel>, #tpu.dimension_semantics<subcore_parallel>], iteration_bounds = array<i64: 2, 16>, scalar_prefetch = 0 : i64, scratch_operands = 4 : i64, tpu.core_type = #tpu.core_type<sc_vector_subcore>, window_params = [{transform_indices = #map}, {transform_indices = #map1}, {transform_indices = #map1}]} {
    %mul3A = arith.constant 2 : i32
    %mul3A_0 = arith.muli %arg1, %mul3A : i32
    %add3A = arith.addi %mul3A_0, %arg0 : i32
    %mul3A_1 = arith.constant 128 : i32
    %mul3A_2 = arith.muli %add3A, %mul3A_1 : i32
    "tpu.region"() ({
      %run_scoped3A = tpu.sem_alloc : memref<!tpu.dma_semaphore, #tpu.memory_space<semaphore_mem>>
      %dma_start3A_12 = tpu.memref_slice %arg2[%mul3A_2] : memref<4096xi32, #tpu.memory_space<hbm>> -> memref<128xi32, #tpu.memory_space<hbm>>
      %dma_start3A_13 = tpu.memref_slice %arg2[%mul3A_2] : memref<4096xi32, #tpu.memory_space<hbm>> -> memref<128xi32, #tpu.memory_space<hbm>>
      tpu.enqueue_dma source(%dma_start3A_13 : memref<128xi32, #tpu.memory_space<hbm>>) target(%arg5 : memref<128xi32, #tpu.memory_space<vmem>>) target_semaphore(%run_scoped3A : memref<!tpu.dma_semaphore, #tpu.memory_space<semaphore_mem>>)
      %dma_wait3A_14 = tpu.memref_slice %arg2[%mul3A_2] : memref<4096xi32, #tpu.memory_space<hbm>> -> memref<128xi32, #tpu.memory_space<hbm>>
      %dma_wait3A_15 = tpu.memref_slice %arg2[%mul3A_2] : memref<4096xi32, #tpu.memory_space<hbm>> -> memref<128xi32, #tpu.memory_space<hbm>>
      tpu.wait_dma2 semaphore(%run_scoped3A : memref<!tpu.dma_semaphore, #tpu.memory_space<semaphore_mem>>) src(%dma_wait3A_15 : memref<128xi32, #tpu.memory_space<hbm>>) dst(%arg5 : memref<128xi32, #tpu.memory_space<vmem>>)
      tpu.yield
    }) : () -> ()
    %dma_start3A = arith.constant 0 : i32
    %dma_start3A_3 = arith.constant 0 : i32
    %dma_start3A_4 = tpu.memref_slice %arg3[%dma_start3A, %dma_start3A_3] : memref<100000x128xf32, #tpu.memory_space<hbm>> -> memref<100000x128xf32, #tpu.memory_space<hbm>>
    tpu.enqueue_indirect_dma source(%dma_start3A_4 : memref<100000x128xf32, #tpu.memory_space<hbm>>) target(%arg6 : memref<128x128xf32, #tpu.memory_space<vmem>>) offsets(%arg5 : memref<128xi32, #tpu.memory_space<vmem>>) semaphore(%arg8 : memref<!tpu.dma_semaphore, #tpu.memory_space<semaphore_mem>>)
    %dma_wait3A = arith.constant 0 : i32
    %dma_wait3A_5 = arith.constant 0 : i32
    %dma_wait3A_6 = tpu.memref_slice %arg3[%dma_wait3A, %dma_wait3A_5] : memref<100000x128xf32, #tpu.memory_space<hbm>> -> memref<100000x128xf32, #tpu.memory_space<hbm>>
    tpu.wait_indirect_dma semaphore(%arg8 : memref<!tpu.dma_semaphore, #tpu.memory_space<semaphore_mem>>) src(%dma_wait3A_6 : memref<100000x128xf32, #tpu.memory_space<hbm>>) dst(%arg6 : memref<128x128xf32, #tpu.memory_space<vmem>>)
    %scan3A = arith.constant 0 : i32
    %scan3A_7 = arith.constant 0 : i32
    %scan3A_8 = arith.constant 128 : i32
    %scan3A_9 = arith.addi %scan3A_7, %scan3A_8 : i32
    %scan3A_10 = arith.constant 1 : i32
    scf.for %scan3A_12 = %scan3A_7 to %scan3A_9 step %scan3A_10  : i32 {
      %get3A = arith.index_cast %scan3A_12 : i32 to index
      %get3A_13 = arith.constant 0 : index
      %get3A_14 = tpu.vector_load %arg6[%get3A, %get3A_13] {strides = array<i32>} : memref<128x128xf32, #tpu.memory_space<vmem>>, vector<1x16xf32>,
      %get3A_15 = vector.shape_cast %get3A_14 : vector<1x16xf32> to vector<16xf32>
      %neg3A = arith.constant 0.000000e+00 : f32
      %neg3A_16 = vector.broadcast %neg3A : f32 to vector<16xf32>
      %neg3A_17 = arith.subf %neg3A_16, %get3A_15 : vector<16xf32>
      %exp3A = math.exp %neg3A_17 : vector<16xf32>
      %add3A_18 = arith.constant 1.000000e+00 : f32
      %add3A_19 = vector.broadcast %add3A_18 : f32 to vector<16xf32>
      %add3A_20 = arith.addf %add3A_19, %exp3A : vector<16xf32>
      %div3A = arith.constant 1.000000e+00 : f32
      %div3A_21 = vector.broadcast %div3A : f32 to vector<16xf32>
      %div3A_22 = arith.divf %div3A_21, %add3A_20 : vector<16xf32>
      %swap3A = arith.index_cast %scan3A_12 : i32 to index
      %swap3A_23 = arith.constant 0 : index
      %swap3A_24 = tpu.vector_load %arg7[%swap3A, %swap3A_23] {strides = array<i32>} : memref<128x64xf32, #tpu.memory_space<vmem>>, vector<1x16xf32>,
      %swap3A_25 = vector.shape_cast %swap3A_24 : vector<1x16xf32> to vector<16xf32>
      %swap3A_26 = vector.shape_cast %div3A_22 : vector<16xf32> to vector<1x16xf32>
      tpu.vector_store %arg7[%swap3A, %swap3A_23], %swap3A_26 {strides = array<i32>} : memref<128x64xf32, #tpu.memory_space<vmem>>, vector<1x16xf32>,
      %get3A_27 = arith.index_cast %scan3A_12 : i32 to index
      %get3A_28 = arith.constant 16 : index
      %get3A_29 = tpu.vector_load %arg6[%get3A_27, %get3A_28] {strides = array<i32>} : memref<128x128xf32, #tpu.memory_space<vmem>>, vector<1x16xf32>,
      %get3A_30 = vector.shape_cast %get3A_29 : vector<1x16xf32> to vector<16xf32>
      %neg3A_31 = arith.constant 0.000000e+00 : f32
      %neg3A_32 = vector.broadcast %neg3A_31 : f32 to vector<16xf32>
      %neg3A_33 = arith.subf %neg3A_32, %get3A_30 : vector<16xf32>
      %exp3A_34 = math.exp %neg3A_33 : vector<16xf32>
      %add3A_35 = arith.constant 1.000000e+00 : f32
      %add3A_36 = vector.broadcast %add3A_35 : f32 to vector<16xf32>
      %add3A_37 = arith.addf %add3A_36, %exp3A_34 : vector<16xf32>
      %div3A_38 = arith.constant 1.000000e+00 : f32
      %div3A_39 = vector.broadcast %div3A_38 : f32 to vector<16xf32>
      %div3A_40 = arith.divf %div3A_39, %add3A_37 : vector<16xf32>
      %swap3A_41 = arith.index_cast %scan3A_12 : i32 to index
      %swap3A_42 = arith.constant 16 : index
      %swap3A_43 = tpu.vector_load %arg7[%swap3A_41, %swap3A_42] {strides = array<i32>} : memref<128x64xf32, #tpu.memory_space<vmem>>, vector<1x16xf32>,
      %swap3A_44 = vector.shape_cast %swap3A_43 : vector<1x16xf32> to vector<16xf32>
      %swap3A_45 = vector.shape_cast %div3A_40 : vector<16xf32> to vector<1x16xf32>
      tpu.vector_store %arg7[%swap3A_41, %swap3A_42], %swap3A_45 {strides = array<i32>} : memref<128x64xf32, #tpu.memory_space<vmem>>, vector<1x16xf32>,
      %get3A_46 = arith.index_cast %scan3A_12 : i32 to index
      %get3A_47 = arith.constant 32 : index
      %get3A_48 = tpu.vector_load %arg6[%get3A_46, %get3A_47] {strides = array<i32>} : memref<128x128xf32, #tpu.memory_space<vmem>>, vector<1x16xf32>,
      %get3A_49 = vector.shape_cast %get3A_48 : vector<1x16xf32> to vector<16xf32>
      %neg3A_50 = arith.constant 0.000000e+00 : f32
      %neg3A_51 = vector.broadcast %neg3A_50 : f32 to vector<16xf32>
      %neg3A_52 = arith.subf %neg3A_51, %get3A_49 : vector<16xf32>
      %exp3A_53 = math.exp %neg3A_52 : vector<16xf32>
      %add3A_54 = arith.constant 1.000000e+00 : f32
      %add3A_55 = vector.broadcast %add3A_54 : f32 to vector<16xf32>
      %add3A_56 = arith.addf %add3A_55, %exp3A_53 : vector<16xf32>
      %div3A_57 = arith.constant 1.000000e+00 : f32
      %div3A_58 = vector.broadcast %div3A_57 : f32 to vector<16xf32>
      %div3A_59 = arith.divf %div3A_58, %add3A_56 : vector<16xf32>
      %swap3A_60 = arith.index_cast %scan3A_12 : i32 to index
      %swap3A_61 = arith.constant 32 : index
      %swap3A_62 = tpu.vector_load %arg7[%swap3A_60, %swap3A_61] {strides = array<i32>} : memref<128x64xf32, #tpu.memory_space<vmem>>, vector<1x16xf32>,
      %swap3A_63 = vector.shape_cast %swap3A_62 : vector<1x16xf32> to vector<16xf32>
      %swap3A_64 = vector.shape_cast %div3A_59 : vector<16xf32> to vector<1x16xf32>
      tpu.vector_store %arg7[%swap3A_60, %swap3A_61], %swap3A_64 {strides = array<i32>} : memref<128x64xf32, #tpu.memory_space<vmem>>, vector<1x16xf32>,
      %get3A_65 = arith.index_cast %scan3A_12 : i32 to index
      %get3A_66 = arith.constant 48 : index
      %get3A_67 = tpu.vector_load %arg6[%get3A_65, %get3A_66] {strides = array<i32>} : memref<128x128xf32, #tpu.memory_space<vmem>>, vector<1x16xf32>,
      %get3A_68 = vector.shape_cast %get3A_67 : vector<1x16xf32> to vector<16xf32>
      %neg3A_69 = arith.constant 0.000000e+00 : f32
      %neg3A_70 = vector.broadcast %neg3A_69 : f32 to vector<16xf32>
      %neg3A_71 = arith.subf %neg3A_70, %get3A_68 : vector<16xf32>
      %exp3A_72 = math.exp %neg3A_71 : vector<16xf32>
      %add3A_73 = arith.constant 1.000000e+00 : f32
      %add3A_74 = vector.broadcast %add3A_73 : f32 to vector<16xf32>
      %add3A_75 = arith.addf %add3A_74, %exp3A_72 : vector<16xf32>
      %div3A_76 = arith.constant 1.000000e+00 : f32
      %div3A_77 = vector.broadcast %div3A_76 : f32 to vector<16xf32>
      %div3A_78 = arith.divf %div3A_77, %add3A_75 : vector<16xf32>
      %swap3A_79 = arith.index_cast %scan3A_12 : i32 to index
      %swap3A_80 = arith.constant 48 : index
      %swap3A_81 = tpu.vector_load %arg7[%swap3A_79, %swap3A_80] {strides = array<i32>} : memref<128x64xf32, #tpu.memory_space<vmem>>, vector<1x16xf32>,
      %swap3A_82 = vector.shape_cast %swap3A_81 : vector<1x16xf32> to vector<16xf32>
      %swap3A_83 = vector.shape_cast %div3A_78 : vector<16xf32> to vector<1x16xf32>
      tpu.vector_store %arg7[%swap3A_79, %swap3A_80], %swap3A_83 {strides = array<i32>} : memref<128x64xf32, #tpu.memory_space<vmem>>, vector<1x16xf32>,
    }
    %scan3A_11 = arith.constant 128 : i32
    "tpu.region"() ({
      %run_scoped3A = tpu.sem_alloc : memref<!tpu.dma_semaphore, #tpu.memory_space<semaphore_mem>>
      %dma_start3A_12 = arith.constant 0 : i32
      %dma_start3A_13 = tpu.memref_slice %arg4[%mul3A_2, %dma_start3A_12] : memref<4096x64xf32, #tpu.memory_space<hbm>> -> memref<128x64xf32, #tpu.memory_space<hbm>>
      %dma_start3A_14 = arith.constant 0 : i32
      %dma_start3A_15 = tpu.memref_slice %arg4[%mul3A_2, %dma_start3A_14] : memref<4096x64xf32, #tpu.memory_space<hbm>> -> memref<128x64xf32, #tpu.memory_space<hbm>>
      tpu.enqueue_dma source(%arg7 : memref<128x64xf32, #tpu.memory_space<vmem>>) target(%dma_start3A_15 : memref<128x64xf32, #tpu.memory_space<hbm>>) target_semaphore(%run_scoped3A : memref<!tpu.dma_semaphore, #tpu.memory_space<semaphore_mem>>)
      %dma_wait3A_16 = arith.constant 0 : i32
      %dma_wait3A_17 = tpu.memref_slice %arg4[%mul3A_2, %dma_wait3A_16] : memref<4096x64xf32, #tpu.memory_space<hbm>> -> memref<128x64xf32, #tpu.memory_space<hbm>>
      %dma_wait3A_18 = arith.constant 0 : i32
      %dma_wait3A_19 = tpu.memref_slice %arg4[%mul3A_2, %dma_wait3A_18] : memref<4096x64xf32, #tpu.memory_space<hbm>> -> memref<128x64xf32, #tpu.memory_space<hbm>>
      tpu.wait_dma2 semaphore(%run_scoped3A : memref<!tpu.dma_semaphore, #tpu.memory_space<semaphore_mem>>) src(%arg7 : memref<128x64xf32, #tpu.memory_space<vmem>>) dst(%dma_wait3A_19 : memref<128x64xf32, #tpu.memory_space<hbm>>)
      tpu.yield
    }) : () -> ()
    return
  }
}

module attributes {stable_mosaic.version = 14 : i64} {
  func.func @_tc_body(%arg0: memref<4096x64xf32, #tpu.memory_space<vmem>>, %arg1: memref<4096x64xf32, #tpu.memory_space<vmem>>, %arg2: memref<4096xf32, #tpu.memory_space<vmem>>) attributes {dimension_semantics = [], scalar_prefetch = 0 : i64, scratch_operands = 0 : i64, tpu.core_type = #tpu.core_type<tc>} {
    %get3A = arith.constant 0 : index
    %get3A_0 = arith.constant 0 : index
    %get3A_1 = vector.load %arg0[%get3A, %get3A_0] : memref<4096x64xf32, #tpu.memory_space<vmem>>, vector<4096x64xf32>
    %get3A_2 = arith.constant 0 : index
    %get3A_3 = arith.constant 0 : index
    %get3A_4 = vector.load %arg1[%get3A_2, %get3A_3] : memref<4096x64xf32, #tpu.memory_space<vmem>>, vector<4096x64xf32>
    %mul3A = arith.mulf %get3A_1, %get3A_4 : vector<4096x64xf32>
    %reduce_sum3A = arith.constant dense<0.000000e+00> : vector<4096xf32>
    %reduce_sum3A_5 = vector.multi_reduction <add>, %mul3A, %reduce_sum3A [1] : vector<4096x64xf32> to vector<4096xf32>
    %swap3A = arith.constant 0 : index
    %swap3A_6 = vector.load %arg2[%swap3A] : memref<4096xf32, #tpu.memory_space<vmem>>, vector<4096xf32>
    tpu.vector_store %arg2[%swap3A], %reduce_sum3A_5 {strides = array<i32>} : memref<4096xf32, #tpu.memory_space<vmem>>, vector<4096xf32>,
    return
  }
}

</mosaic_0001>

<sc_bundles>
// kernel: _run.4.cloned.1.call-start
scs
__scs_entry_jumppad:
0x0: {  	(pc) =	sbr.rel $0x88, $3  }
0x1: {  	(tag) =	ssettag $0x0;
	lr =	simm.s32 $0x1  }
0x2: {  	[smem:$0x3F9E] =	sst lr;
	_ =	strace $0xD0000000  }
0x3: {  	_ = 	snop  }
0x4: {  	_ = 	snop  }
0x5: {  	_ = 	snop  }
0x6: {  	_ = 	snop  }
0x7: {  	_ = 	snop  }
__scs_overlays_trampoline_lowered:
0x8: {  	[smem:$0x3FAD] =	sst s0  }
0x9: {  	[smem:$0x3FAE] =	sst s1  }
0xa: {  	[smem:$0x3FAF] =	sst s2  }
0xb: {  	[smem:$0x3FB0] =	sst s3  }
0xc: {  	[smem:$0x3FB1] =	sst s4  }
0xd: {  	[smem:$0x3FB2] =	sst s5  }
0xe: {  	[smem:$0x3FB3] =	sst s6  }
0xf: {  	[smem:$0x3FB4] =	sst s7  }
0x10: {  	[smem:$0x3FB5] =	sst s8  }
0x11: {  	[smem:$0x3FB6] =	sst s9;
	s0 =	simm.s32 @!p0 $0x0  }
0x12: {  	s1 =	sld [smem:$0x3F9C];
	s0 =	simm.s32 @p0 $0x1  }
0x13: {  	[smem:$0x3FB7] =	sst s0;
	s0 =	simm.s32 @!p1 $0x0  }
0x14: {  	s2 =	sld [smem:$0x3F9B];
	s0 =	simm.s32 @p1 $0x1  }
0x15: {  	[smem:$0x3FB8] =	sst s0;
	s0 =	simm.s32 @!p2 $0x0  }
0x16: {  	s3 =	sld [smem:$0x3FDB];
	s0 =	simm.s32 @p2 $0x1  }
0x17: {  	s4 =	simm.s32 $0x1BF5;
	[smem:$0x3FBA] =	sst s0  }
0x18: {  	s0 =	sld [smem:$0x3F9D];
	_ =	swait.ge [sflag:s4], $0x0  }
0x19: {  	s7 =	sld [smem:$0x3F9E]  }
0x1a: {  	s8 =	sadd.s32 $0xFFFFE003, lr  }
0x1b: {  	s9 =	sadd.s32 $0xFFFFFEF7, lr;
	s5 =	simm.s32 $0xFFFFFFFF;
	p2 =	slt.u32 s8, $0xFFFFF086  }
0x1c: {  	p1 =	slt.u32 s9, $0xF7A;
	s5 =	simm.s32 @!p2 $0x0  }
0x1d: {  	s5 =	simm.s32 @p1 $0x1;
	p0 =	seq.s32 s7, s2  }
0x1e: {  	s7 =	smul.u32 @!p0 $0xF7A, s2;
	p2 =	seq.s32 @!p0 s5, $0x0  }
0x1f: {  	s9 =	smul.u32 $0xF7A, s1;
	s8 =	simm.s32 @!p0 $0x1BF5;
	p2 =	por !p2, p0  }
0x20: {  	[sflag:s8] =	ssyncset.s32 @!p0 $0xFFFFF086;
	s6 =	sadd.s32 @!p0 s3, s7;
	s7 =	simm.s32 @!p0 $0x108  }
0x21: {  	s3 =	sadd.s32 s3, s9;
	s6 =	sadd.s32 @!p0 $0x88, s6;
	s7 =	simm.s32 @p2 $0x1082  }
0x22: {  	[simem:s7], [sflag:s8] =	dma.local @!p0 [hbm:s6], $0xF7A  }
0x23: {  	s9 =	sor.u32 $0xD0000000, s2;
	s6 =	simm.s32 $0x108;
	_ =	swait.ge @!p0 [sflag:s8], $0x0  }
0x24: {  	s3 =	sadd.s32 $0x88, s3;
	s6 =	simm.s32 @!p1 $0x1082;
	[sflag:s4] =	ssyncset.s32 $0xFFFFF086  }
0x25: {  	[simem:s6], [sflag:s4] =	dma.local [hbm:s3], $0xF7A  }
0x26: {  	[smem:$0x3F9E] =	sst s1;
	(tag) =	ssettag s2;
	_ =	strace s9  }
0x27: {  	s1 =	sld [smem:$0x3FAE]  }
0x28: {  	s2 =	sld [smem:$0x3FAF]  }
0x29: {  	s4 =	sld [smem:$0x3FB1]  }
0x2a: {  	p0 =	seq.s32 s5, $0x0;
	s5 =	sld [smem:$0x3FB2]  }
0x2b: {  	s6 =	sld [smem:$0x3FB3]  }
0x2c: {  	s7 =	sld [smem:$0x3FB4]  }
0x2d: {  	s3 =	simm.s32 $0x108;
	s8 =	sld [smem:$0x3FB5]  }
0x2e: {  	s3 =	simm.s32 @!p0 $0x1082;
	s9 =	sld [smem:$0x3FB6]  }
0x2f: {  	lr =	sadd.s32 s0, s3;
	s0 =	sld [smem:$0x3FAD]  }
0x30: {  	s3 =	sld [smem:$0x3FB0]  }
0x31: {  	[smem:$0x3FB9] =	sst s10  }
0x32: {  	s10 =	sld [smem:$0x3FB7];
	_ =	sdelay $0x3  }
0x33: {  	p0 =	seq.s32 s10, $0x1;
	s10 =	sld [smem:$0x3FB9];
	_ =	sdelay $0x3  }
0x34: {  	[smem:$0x3FB9] =	sst s10  }
0x35: {  	s10 =	sld [smem:$0x3FB8];
	_ =	sdelay $0x3  }
0x36: {  	p1 =	seq.s32 s10, $0x1;
	s10 =	sld [smem:$0x3FB9];
	_ =	sdelay $0x3  }
0x37: {  	[smem:$0x3FB9] =	sst s10  }
0x38: {  	s10 =	sld [smem:$0x3FBA]  }
0x39: {  	_ = 	snop;
	(pc) =	sbr.ind lr, $3  }
0x3a: {  	_ = 	snop  }
0x3b: {  	_ = 	snop  }
0x3c: {  	p2 =	seq.s32 s10, $0x1;
	s10 =	sld [smem:$0x3FB9]  }
0x3d: {  	_ =	shalt  }
0x3e: {  	_ =	shalt  }
0x3f: {  	_ =	shalt  }
0x40: {  	_ =	shalt  }
0x41: {  	_ =	shalt  }
0x42: {  	_ =	shalt  }
0x43: {  	_ =	shalt  }
0x44: {  	_ =	shalt  }
0x45: {  	_ =	shalt  }
0x46: {  	_ =	shalt  }
0x47: {  	_ =	shalt  }
0x48: {  	_ =	shalt  }
0x49: {  	_ =	shalt  }
0x4a: {  	_ =	shalt  }
0x4b: {  	_ =	shalt  }
0x4c: {  	_ =	shalt  }
0x4d: {  	_ =	shalt  }
0x4e: {  	_ =	shalt  }
0x4f: {  	_ =	shalt  }
0x50: {  	_ =	shalt  }
0x51: {  	_ =	shalt  }
0x52: {  	_ =	shalt  }
0x53: {  	_ =	shalt  }
0x54: {  	_ =	shalt  }
0x55: {  	_ =	shalt  }
0x56: {  	_ =	shalt  }
0x57: {  	_ =	shalt  }
0x58: {  	_ =	shalt  }
0x59: {  	_ =	shalt  }
0x5a: {  	_ =	shalt  }
0x5b: {  	_ =	shalt  }
0x5c: {  	_ =	shalt  }
0x5d: {  	_ =	shalt  }
0x5e: {  	_ =	shalt  }
0x5f: {  	_ =	shalt  }
0x60: {  	_ =	shalt  }
0x61: {  	_ =	shalt  }
0x62: {  	_ =	shalt  }
0x63: {  	_ =	shalt  }
0x64: {  	_ =	shalt  }
0x65: {  	_ =	shalt  }
0x66: {  	_ =	shalt  }
0x67: {  	_ =	shalt  }
0x68: {  	_ =	shalt  }
0x69: {  	_ =	shalt  }
0x6a: {  	_ =	shalt  }
0x6b: {  	_ =	shalt  }
0x6c: {  	_ =	shalt  }
0x6d: {  	_ =	shalt  }
0x6e: {  	_ =	shalt  }
0x6f: {  	_ =	shalt  }
0x70: {  	_ =	shalt  }
0x71: {  	_ =	shalt  }
0x72: {  	_ =	shalt  }
0x73: {  	_ =	shalt  }
0x74: {  	_ =	shalt  }
0x75: {  	_ =	shalt  }
0x76: {  	_ =	shalt  }
0x77: {  	_ =	shalt  }
0x78: {  	_ =	shalt  }
0x79: {  	_ =	shalt  }
0x7a: {  	_ =	shalt  }
0x7b: {  	_ =	shalt  }
0x7c: {  	_ =	shalt  }
0x7d: {  	_ =	shalt  }
0x7e: {  	_ =	shalt  }
0x7f: {  	_ =	shalt  }
0x80: {  	_ =	shalt  }
0x81: {  	_ =	shalt  }
0x82: {  	_ =	shalt  }
0x83: {  	_ =	shalt  }
0x84: {  	_ =	shalt  }
0x85: {  	_ =	shalt  }
0x86: {  	_ =	shalt  }
0x87: {  	_ =	shalt  }
.Lfunc_end0:
.L_simem_size_0:
called_computation_lowered:
.L_overlay_start_0:
0x88: {  	s2 =	sld [smem:$0x3FD9]  }
0x89: {  	s3 =	sld [smem:$0x3FFE];
	_ =	sdelay $0x1  }
0x8a: {  	s1 =	srdreg.scid  }
0x8b: {  	s0 =	sand.u32 $0x1, s1  }
0x8c: {  	s15 =	sshll.u32 s0, $0xA;
	s2 =	sadd.s32 s3, s2  }
0x8d: {  	s2 =	sadd.s32 s2, s15  }
0x8e: {  	[smem:$0x3FC5] =	sst s2  }
0x8f: {  	_ = 	snop  }
0x90: {  	s2 =	sld [smem:$0x3FD0];
	_ =	sdelay $0x1  }
0x91: {  	s16 =	sld [smem:$0x3FC9]  }
0x92: {  	s5 =	simm.s32 $0xA;
	s6 =	simm.s32 $0x10;
	s4 =	sld [smem:$0x3FC7]  }
0x93: {  	[smem:s6], [sflag:s5] =	dma.local [hbm:s2], $0x1  }
0x94: {  	_ =	swait.eq [sflag:s5], $0x1  }
0x95: {  	[sflag:s5] =	ssyncset.done $0x0  }
0x96: {  	[sflag:s5] =	ssyncadd.s32 $0xFFFFFFFF  }
0x97: {  	s17 =	sld [smem:$0x10];
	(tm) =	ssettm $0x1  }
0x98: {  	s18 =	sld [smem:$0x3FFB];
	_ =	sdelay $0x3  }
0x99: {  	_ =	strace s18  }
0x9a: {  	s5 =	sld [smem:$0x3FFC];
	_ =	sdelay $0x3  }
0x9b: {  	_ =	strace s5  }
0x9c: {  	s5 =	sld [smem:$0x3FFD];
	_ =	sdelay $0x3  }
0x9d: {  	_ =	strace s5  }
0x9e: {  	_ =	strace $0x8FFFFFFF  }
0x9f: {  	s19 =	sld [smem:$0x3FDB];
	_ =	sdelay $0x1  }
0xa0: {  	s20 =	simm.s32 $_scs_section_size  }
0xa1: {  	s7 =	simm.s32 $_size__tile_overlayer_lowered;
	s8 =	simm.s32 $_tile_overlayer_lowered  }
0xa2: {  	s23 =	simm.s32 $0x1BFF;
	s22 =	sshll.u32 s8, $0x1;
	s5 =	sadd.s32 s20, s19  }
0xa3: {  	s9 =	simm.s32 $0x0;
	s21 =	sshll.u32 s7, $0x1;
	s7 =	sadd.s32 s22, s5  }
0xa4: {  	[timem:s9], [sflag:s23] =	dma.local [hbm:s7], s21  }
0xa5: {  	_ =	swait.ge [sflag:s23], s21  }
0xa6: {  	s6 =	ssub.s32 $0x0, s21;
	[sflag:s23] =	ssyncset.done $0x0  }
0xa7: {  	[sflag:s23] =	ssyncadd.s32 s6;
	_ =	sdelay $0x1  }
0xa8: {  	s24 =	simm.s32 $0x1B8B  }
0xa9: {  	_ =	swait.ge [sflag:s24], $0x1  }
0xaa: {  	[sflag:s24] =	ssyncset.done $0x0  }
0xab: {  	s25 =	simm.s32 $0x1B8E;
	[sflag:s24] =	ssyncadd.s32 $0xFFFFFFFF  }
0xac: {  	s26 =	simm.s32 $execute0_lowered;
	[smem:$0x3FD2] =	sst s25  }
0xad: {  	s6 =	sshll.u32 s26, $0x1;
	_ =	strace $0x80000046;
	[dreg:$0x1] =	wrdreg $0xFFFFFFFF  }
0xae: {  	s28 =	simm.s32 $_size_execute0_lowered;
	s5 =	sadd.s32 s5, s6;
	[dreg:$0x0] =	wrdreg $0x0  }
0xaf: {  	s6 =	sshll.u32 s28, $0x1;
	[dreg:$0x2] =	wrdreg s5  }
0xb0: {  	[dreg:$0x3] =	wrdreg s6  }
0xb1: {  	[dreg:$0x4] =	wrdreg $0xC0  }
0xb2: {  	_ =	task [dreg:s9], $0x5FFFF  }
0xb3: {  	[dreg:$0x1] =	wrdreg $0xFFFFFFFF  }
0xb4: {  	[dreg:$0x0] =	wrdreg $0x60  }
0xb5: {  	[dreg:$0x2] =	wrdreg s16  }
0xb6: {  	[dreg:$0x3] =	wrdreg s4  }
0xb7: {  	[dreg:$0x4] =	wrdreg s17  }
0xb8: {  	[dreg:$0x5] =	wrdreg $0x9  }
0xb9: {  	_ =	task.clear_ibuf [dreg:s9], $0x6FFFF;
	_ =	strace $0x90000046  }
0xba: {  	s29 =	simm.s32 $0x9;
	_ =	strace $0x80000048  }
0xbb: {  	_ =	swait.ge [sflag:s29], $0x1  }
0xbc: {  	[sflag:s29] =	ssyncadd.s32 $0xFFFFFFFF  }
0xbd: {  	_ =	strace $0x90000048  }
0xbe: {  	_ =	sfence  }
0xbf: {  	s30 =	sld [smem:$0x0];
	_ =	sdelay $0x2  }
0xc0: {  	s31 =	sshll.u32 s1, $0xD;
	s1 =	sshrl.u32 s1, $0x2  }
0xc1: {  	s3 =	sand.u32 $0x4000, s31;
	s1 =	sadd.s32 s1, s30  }
0xc2: {  	s0 =	sor.u32 s3, s0;
	s1 =	sshll.u32 s1, $0x11  }
0xc3: {  	s0 =	sor.u32 s1, s0  }
0xc4: {  	s0 =	sadd.s32 $0x8F2B, s0  }
0xc5: {  	[sflag:s0] =	ssyncadd.remote.s32 $0x1  }
0xc6: {  	_ =	sfence.sel $0xFFFF  }
0xc7: {  	[dreg:$0x0] =	wrdreg $0xFFFFFFFF;
	(pc) =	sbr.abs _section_cstart, $3  }
0xc8: {  	[dreg:$0x1] =	wrdreg $0xFFFFFFFF  }
0xc9: {  	_ =	task.clear_ibuf [dreg:s9], $0x2FFFF;
	_ =	strace $0x9FFFFFFF  }
0xca: {  	(tm) =	ssettm $0x7FFFFFFF  }
0xcb: {  	_ =	shalt  }
tec
execute0_lowered:
.L_overlay_start_1:
0x0: {  	(tag) =	ssettag $0x1  }
0x1: {  	s4 =	rddreg [dreg:$0x0]  }
0x2: {  	s1 =	rddreg [dreg:$0x1]  }
0x3: {  	s5 =	rddreg [dreg:$0x2]  }
0x4: {  	s0 =	rddreg [dreg:$0x3];
	s6 =	srdreg.scid  }
0x5: {  	s3 =	simm.s32 $0x0;
	s2 =	stileid.u32;
	s10 =	simm.s32 $0x4080  }
0x6: {  	s11 =	simm.s32 $0x0;
	s6 =	sand.u32 $0x1, s6;
	[smem:$0x7FF] =	sst s3  }
0x7: {  	s7 =	sshll.u32 s2, $0x8;
	s8 =	sshll.u32 s6, $0x7;
	s6 =	ssub.s32 $0x2, s6  }
0x8: {  	_ =	strace $0x80000047;
	s7 =	sor.u32 s8, s7;
	s31 =	sshrl.u32 s6, $0x1  }
0x9: {  	s8 =	simm.s32 $0x80;
	s9 =	sshrl.u32 s7, $0x3;
	s7 =	sshll.u32 s7, $0x3  }
0xa: {  	s6 =	ssub.s32 s6, s31;
	s4 =	sadd.s32 s4, s9;
	s5 =	sadd.s32 s5, s7  }
0xb: {  	s6 =	smax.u32 s6, $0x1;
	s7 =	simm.s32 $0x2;
	s9 =	simm.s32 $0x1  }
.LBB2_1:
0xc: {  	[tilespmem:s3], [sflag:$0x2] =	stream.linear.gather [hbm4b:s4+s3], $0x80, $0x38;
	[tilespmem:$0x6080] =	vst v63  }
0xd: {  	_ =	swait.ge [sflag:s7], $0x80  }
0xe: {  	[sflag:s7] =	ssyncset.done $0x0  }
0xf: {  	[sflag:s7] =	ssyncadd.s32 $0xFFFFFF80  }
0x10: {  	[tilespmem:s8], [sflag:$0x1] =	stream.indirect.gather [hbm4b:s1+s8], $0x80, s3, s8, $0xb8;
	[tilespmem:$0x6080] =	vst v63  }
0x11: {  	_ =	swait.ge [sflag:s9], $0x4000  }
0x12: {  	[sflag:s9] =	ssyncset.done $0x0  }
0x13: {  	s13 =	simm.s32 $0x0;
	[sflag:s9] =	ssyncadd.s32 $0xFFFFC000  }
0x14: {  	v0 =	vld [tilespmem:s13+$0x80];
	_ =	sdelay $0x4  }
0x15: {  	v0 =	vsub.f32 $0.0e+00, v0;
	_ =	sdelay $0x1  }
0x16: {  	v0 =	vmul.f32 $1.442695020e+00, v0;
	_ =	sdelay $0x1  }
0x17: {  	(erf) = vpow2.f32 v0;
	_ =	sdelay $0x8  }
0x18: {  	v0 =	vpop (erf)  }
0x19: {  	v0 =	vadd.f32 $1.000000000e+00, v0;
	_ =	sdelay $0x1  }
0x1a: {  	(erf) = vrcp.f32 v0;
	_ =	sdelay $0x8  }
0x1b: {  	s12 =	simm.s32 $0x40A0;
	v0 =	vpop (erf)  }
0x1c: {  	[tilespmem:s12+$0xFFFFFFE0] =	vst v0  }
0x1d: {  	v0 =	vld [tilespmem:s13+$0x90];
	_ =	sdelay $0x4  }
0x1e: {  	v0 =	vsub.f32 $0.0e+00, v0;
	_ =	sdelay $0x1  }
0x1f: {  	v0 =	vmul.f32 $1.442695020e+00, v0;
	_ =	sdelay $0x1  }
0x20: {  	(erf) = vpow2.f32 v0;
	_ =	sdelay $0x8  }
0x21: {  	v0 =	vpop (erf)  }
0x22: {  	v0 =	vadd.f32 $1.000000000e+00, v0;
	_ =	sdelay $0x1  }
0x23: {  	(erf) = vrcp.f32 v0;
	_ =	sdelay $0x8  }
0x24: {  	v0 =	vpop (erf)  }
0x25: {  	[tilespmem:s12+$0xFFFFFFF0] =	vst v0  }
0x26: {  	v0 =	vld [tilespmem:s13+$0xA0];
	_ =	sdelay $0x4  }
0x27: {  	v0 =	vsub.f32 $0.0e+00, v0;
	_ =	sdelay $0x1  }
0x28: {  	v0 =	vmul.f32 $1.442695020e+00, v0;
	_ =	sdelay $0x1  }
0x29: {  	(erf) = vpow2.f32 v0;
	_ =	sdelay $0x8  }
0x2a: {  	v0 =	vpop (erf)  }
0x2b: {  	v0 =	vadd.f32 $1.000000000e+00, v0;
	_ =	sdelay $0x1  }
0x2c: {  	(erf) = vrcp.f32 v0;
	_ =	sdelay $0x8  }
0x2d: {  	v0 =	vpop (erf)  }
0x2e: {  	[tilespmem:s12+$0x0] =	vst v0  }
0x2f: {  	v0 =	vld [tilespmem:s13+$0xB0];
	_ =	sdelay $0x4  }
0x30: {  	v0 =	vsub.f32 $0.0e+00, v0;
	_ =	sdelay $0x1  }
0x31: {  	v0 =	vmul.f32 $1.442695020e+00, v0;
	_ =	sdelay $0x1  }
0x32: {  	(erf) = vpow2.f32 v0;
	_ =	sdelay $0x8  }
0x33: {  	v0 =	vpop (erf)  }
0x34: {  	v0 =	vadd.f32 $1.000000000e+00, v0;
	_ =	sdelay $0x1  }
0x35: {  	(erf) = vrcp.f32 v0;
	_ =	sdelay $0x8  }
0x36: {  	v0 =	vpop (erf)  }
0x37: {  	s14 =	simm.s32 $0x80;
	s13 =	simm.s32 $0x400;
	[tilespmem:s12+$0x10] =	vst v0  }
.LBB2_2:
0x38: {  	p0 =	sne.s32 s13, $0xFE00;
	v0 =	vld [tilespmem:s14+$0x80];
	_ =	sdelay $0x4  }
0x39: {  	v0 =	vsub.f32 $0.0e+00, v0;
	_ =	sdelay $0x1  }
0x3a: {  	v0 =	vmul.f32 $1.442695020e+00, v0;
	_ =	sdelay $0x1  }
0x3b: {  	(erf) = vpow2.f32 v0;
	_ =	sdelay $0x8  }
0x3c: {  	v0 =	vpop (erf)  }
0x3d: {  	v0 =	vadd.f32 $1.000000000e+00, v0;
	_ =	sdelay $0x1  }
0x3e: {  	(erf) = vrcp.f32 v0;
	_ =	sdelay $0x8  }
0x3f: {  	s12 =	sadd.s32 $0x40, s12;
	v0 =	vpop (erf)  }
0x40: {  	[tilespmem:s12+$0xFFFFFFE0] =	vst v0  }
0x41: {  	v0 =	vld [tilespmem:s14+$0x90];
	_ =	sdelay $0x4  }
0x42: {  	v0 =	vsub.f32 $0.0e+00, v0;
	_ =	sdelay $0x1  }
0x43: {  	v0 =	vmul.f32 $1.442695020e+00, v0;
	_ =	sdelay $0x1  }
0x44: {  	(erf) = vpow2.f32 v0;
	_ =	sdelay $0x8  }
0x45: {  	v0 =	vpop (erf)  }
0x46: {  	v0 =	vadd.f32 $1.000000000e+00, v0;
	_ =	sdelay $0x1  }
0x47: {  	(erf) = vrcp.f32 v0;
	_ =	sdelay $0x8  }
0x48: {  	v0 =	vpop (erf)  }
0x49: {  	[tilespmem:s12+$0xFFFFFFF0] =	vst v0  }
0x4a: {  	v0 =	vld [tilespmem:s14+$0xA0];
	_ =	sdelay $0x4  }
0x4b: {  	v0 =	vsub.f32 $0.0e+00, v0;
	_ =	sdelay $0x1  }
0x4c: {  	v0 =	vmul.f32 $1.442695020e+00, v0;
	_ =	sdelay $0x1  }
0x4d: {  	(erf) = vpow2.f32 v0;
	_ =	sdelay $0x8  }
0x4e: {  	v0 =	vpop (erf)  }
0x4f: {  	v0 =	vadd.f32 $1.000000000e+00, v0;
	_ =	sdelay $0x1  }
0x50: {  	(erf) = vrcp.f32 v0;
	_ =	sdelay $0x8  }
0x51: {  	v0 =	vpop (erf)  }
0x52: {  	[tilespmem:s12+$0x0] =	vst v0  }
0x53: {  	v0 =	vld [tilespmem:s14+$0xB0];
	_ =	sdelay $0x4  }
0x54: {  	v0 =	vsub.f32 $0.0e+00, v0;
	_ =	sdelay $0x1  }
0x55: {  	v0 =	vmul.f32 $1.442695020e+00, v0;
	_ =	sdelay $0x1  }
0x56: {  	(erf) = vpow2.f32 v0;
	_ =	sdelay $0x8  }
0x57: {  	v0 =	vpop (erf)  }
0x58: {  	v0 =	vadd.f32 $1.000000000e+00, v0;
	_ =	sdelay $0x1  }
0x59: {  	(erf) = vrcp.f32 v0;
	_ =	sdelay $0x5  }
.Ltmp0:
0x5a: {  	(pc) =	sbr.rel @p0 .LBB2_2-.Ltmp0, $3  }
0x5b: {  	_ =	sdelay $0x1  }
0x5c: {  	v0 =	vpop (erf)  }
0x5d: {  	s14 =	sshra.s32 s13, $0x2;
	s13 =	sadd.s32 $0x200, s13;
	[tilespmem:s12+$0x10] =	vst v0  }
0x5e: {  	v0 =	vld [tilespmem:s14+$0x80];
	_ =	sdelay $0x4  }
0x5f: {  	v0 =	vsub.f32 $0.0e+00, v0;
	_ =	sdelay $0x1  }
0x60: {  	v0 =	vmul.f32 $1.442695020e+00, v0;
	_ =	sdelay $0x1  }
0x61: {  	(erf) = vpow2.f32 v0;
	_ =	sdelay $0x8  }
0x62: {  	v0 =	vpop (erf)  }
0x63: {  	v0 =	vadd.f32 $1.000000000e+00, v0;
	_ =	sdelay $0x1  }
0x64: {  	(erf) = vrcp.f32 v0;
	_ =	sdelay $0x8  }
0x65: {  	s12 =	sadd.s32 $0x40, s12;
	v0 =	vpop (erf)  }
0x66: {  	[tilespmem:s12+$0xFFFFFFE0] =	vst v0  }
0x67: {  	v0 =	vld [tilespmem:s14+$0x90];
	_ =	sdelay $0x4  }
0x68: {  	v0 =	vsub.f32 $0.0e+00, v0;
	_ =	sdelay $0x1  }
0x69: {  	v0 =	vmul.f32 $1.442695020e+00, v0;
	_ =	sdelay $0x1  }
0x6a: {  	(erf) = vpow2.f32 v0;
	_ =	sdelay $0x8  }
0x6b: {  	v0 =	vpop (erf)  }
0x6c: {  	v0 =	vadd.f32 $1.000000000e+00, v0;
	_ =	sdelay $0x1  }
0x6d: {  	(erf) = vrcp.f32 v0;
	_ =	sdelay $0x8  }
0x6e: {  	v0 =	vpop (erf)  }
0x6f: {  	[tilespmem:s12+$0xFFFFFFF0] =	vst v0  }
0x70: {  	v0 =	vld [tilespmem:s14+$0xA0];
	_ =	sdelay $0x4  }
0x71: {  	v0 =	vsub.f32 $0.0e+00, v0;
	_ =	sdelay $0x1  }
0x72: {  	v0 =	vmul.f32 $1.442695020e+00, v0;
	_ =	sdelay $0x1  }
0x73: {  	(erf) = vpow2.f32 v0;
	_ =	sdelay $0x8  }
0x74: {  	v0 =	vpop (erf)  }
0x75: {  	v0 =	vadd.f32 $1.000000000e+00, v0;
	_ =	sdelay $0x1  }
0x76: {  	(erf) = vrcp.f32 v0;
	_ =	sdelay $0x8  }
0x77: {  	v0 =	vpop (erf)  }
0x78: {  	[tilespmem:s12+$0x0] =	vst v0  }
0x79: {  	v0 =	vld [tilespmem:s14+$0xB0];
	_ =	sdelay $0x4  }
0x7a: {  	v0 =	vsub.f32 $0.0e+00, v0;
	_ =	sdelay $0x1  }
0x7b: {  	v0 =	vmul.f32 $1.442695020e+00, v0;
	_ =	sdelay $0x1  }
0x7c: {  	(erf) = vpow2.f32 v0;
	_ =	sdelay $0x8  }
0x7d: {  	v0 =	vpop (erf)  }
0x7e: {  	v0 =	vadd.f32 $1.000000000e+00, v0;
	_ =	sdelay $0x1  }
0x7f: {  	(erf) = vrcp.f32 v0;
	_ =	sdelay $0x7  }
0x80: {  	s11 =	sadd.s32 $0x1, s11  }
0x81: {  	p0 =	sne.s32 s11, s6;
	v0 =	vpop (erf)  }
.Ltmp1:
0x82: {  	[tilespmem:s12+$0x10] =	vst v0;
	(pc) =	sbr.rel @p0 .LBB2_1-.Ltmp1, $4  }
0x83: {  	[hbm4b:s5+s3] =	stream.linear.scatter [tilespmem:s10], [sflag:$0x2], $0x2000, $0x38;
	[tilespmem:$0x6080] =	vst v63  }
0x84: {  	_ =	swait.ge [sflag:s7], $0x2000  }
0x85: {  	[sflag:s7] =	ssyncset.done $0x0  }
0x86: {  	[sflag:s7] =	ssyncadd.s32 $0xFFFFE000  }
0x87: {  	_ =	sfence.sel $0x180000  }
0x88: {  	[bflag:$0x0] =	sbarrier.arrive $0xFFFF  }
0x89: {  	p0 =	sne.s32 s2, $0x0;
	_ =	strace $0x90000047  }
0x8a: {  	s0 =	sadd.s32 @!p0 $0x100000, s0;
	[bflag:$0x2] =	sbarrier.arrive $0xFFFF  }
0x8b: {  	[sflag:s0] =	ssyncadd.tile.s32 @!p0 $0x1;
	_ =	shalt  }
.Lfunc_end2:
_tile_overlayer_lowered:
.L_overlay_start_2:
0x8c: {  	(tag) =	ssettag $0x2  }
0x8d: {  	s0 =	rddreg [dreg:$0x0];
	s2 =	stileid.u32  }
0x8e: {  	s1 =	rddreg [dreg:$0x1];
	p0 =	sne.s32 s2, $0x0  }
0x8f: {  	s3 =	rddreg [dreg:$0x2];
	[bflag:$0x3] =	sbarrier.arrive $0xFFFF;
	s2 =	simm.s32 @!p0 $0x1C02  }
0x90: {  	[timem:s3], [sflag:s2] =	dma.local @!p0 [hbm:s0], s1  }
0x91: {  	s0 =	simm.s32 @!p0 $0x2  }
0x92: {  	_ =	swait.ge @!p0 [sflag:s0], s1  }
0x93: {  	s1 =	ssub.s32 @!p0 $0x0, s1;
	[sflag:s0] =	ssyncset.done @!p0 $0x0  }
0x94: {  	[sflag:s0] =	ssyncadd.s32 @!p0 s1  }
0x95: {  	[bflag:$0x3] =	sbarrier.arrive $0xFFFF  }
0x96: {  	_ =	shalt  }

</sc_bundles>
